<compile_context>
chip_gen: v7x
topology: tpu7x:2x2x1
jax: 0.10.2.dev20260603
libtpu: 0.0.44.dev20260713+nightly
codegen_flags: <defaults>
</compile_context>

<pallas_src>
import functools

import jax
import jax.numpy as jnp
from jax import lax
from jax.experimental import pallas as pl
from jax.experimental.pallas import tpu as pltpu
from jax.experimental.pallas import tpu_sc as plsc

N_NODES = 10000
N_EDGES = 320000
EMBED = 128
RBF = 64
ANG = 32

NC = 2
NS = 16
EC = 128
ROWS = N_EDGES // EC
N_PAD = 10240
NODES_PER_SUB = N_PAD // NS
FULL_ITERS = ROWS // NS
EXTRA_SUBS = ROWS - NS * FULL_ITERS


def _sc_body(row_hbm, rbf_hbm, ang_hbm, out_hbm, idx_v, buf_v, stage_v, acc):
    c = lax.axis_index("c")
    s = lax.axis_index("s")

    z16 = jnp.zeros((16,), jnp.float32)

    def _zero_row(i, _):
        for k in range(RBF // 16):
            stage_v[i, pl.ds(k * 16, 16)] = z16
        return 0

    lax.fori_loop(0, NODES_PER_SUB, _zero_row, 0)
    n0 = s * NODES_PER_SUB
    pltpu.sync_copy(stage_v, acc.at[pl.ds(n0, NODES_PER_SUB)])

    @pl.when(c == 1)
    def _():
        one16 = jnp.ones((16,), jnp.float32)

        def _fill_ones(i, _):
            buf_v[i, pl.ds(ANG, 16)] = one16
            buf_v[i, pl.ds(ANG + 16, 16)] = one16
            return 0

        lax.fori_loop(0, EC, _fill_ones, 0)

    plsc.subcore_barrier()

    n_iter = jnp.where(s < EXTRA_SUBS, FULL_ITERS + 1, FULL_ITERS)

    def _edge_step(i, _):
        r = s + NS * i
        pltpu.sync_copy(row_hbm.at[r], idx_v)
        e0 = r * EC

        @pl.when(c == 0)
        def _():
            pltpu.sync_copy(rbf_hbm.at[pl.ds(e0, EC)], buf_v)
            pltpu.sync_copy(buf_v, acc.at[idx_v.at[0]], add=True)

        @pl.when(c == 1)
        def _():
            pltpu.sync_copy(ang_hbm.at[pl.ds(e0, EC)],
                            buf_v.at[:, pl.ds(0, ANG)])
            pltpu.sync_copy(buf_v, acc.at[idx_v.at[0]], add=True)

        return 0

    lax.fori_loop(0, n_iter, _edge_step, 0)
    plsc.subcore_barrier()

    pltpu.sync_copy(acc.at[pl.ds(n0, NODES_PER_SUB)], stage_v)
    pltpu.sync_copy(stage_v, out_hbm.at[pl.ds(c * N_PAD + n0, NODES_PER_SUB)])


_sc_scatter = functools.partial(
    pl.kernel,
    out_type=jax.ShapeDtypeStruct((NC * N_PAD, RBF), jnp.float32),
    mesh=plsc.VectorSubcoreMesh(core_axis_name="c", subcore_axis_name="s",
                                num_cores=NC, num_subcores=NS),
    scratch_types=[
        pltpu.VMEM((1, EC), jnp.int32),
        pltpu.VMEM((EC, RBF), jnp.float32),
        pltpu.VMEM((NODES_PER_SUB, RBF), jnp.float32),
        pltpu.VMEM_SHARED((N_PAD, RBF), jnp.float32),
    ],
    compiler_params=pltpu.CompilerParams(use_tc_tiling_on_sc=False),
)(_sc_body)


BLK = 2000


def _tc_body(pr, x, we, be, w1, b1, w2, b2, o):
    aggr = pr[0]
    agga = pr[1, :, 0:ANG]
    cnt = pr[1, :, ANG:ANG + 1]
    hi = jax.lax.Precision.HIGHEST
    agg = (jnp.dot(aggr, we[:RBF], precision=hi,
                   preferred_element_type=jnp.float32)
           + jnp.dot(agga, we[RBF:], precision=hi,
                     preferred_element_type=jnp.float32)
           + cnt * be[...])
    h = jnp.maximum(jnp.dot(agg, w1[...], precision=hi,
                            preferred_element_type=jnp.float32) + b1[...], 0.0)
    h = jnp.dot(h, w2[...], precision=hi,
                preferred_element_type=jnp.float32) + b2[...]
    o[...] = x[...] + h


def _tc_combine(pr, x, W_edge, b_edge, W1, b1, W2, b2):
    grid = N_NODES // BLK
    return pl.pallas_call(
        _tc_body,
        grid=(grid,),
        in_specs=[
            pl.BlockSpec((NC, BLK, RBF), lambda i: (0, i, 0)),
            pl.BlockSpec((BLK, EMBED), lambda i: (i, 0)),
            pl.BlockSpec((RBF + ANG, EMBED), lambda i: (0, 0)),
            pl.BlockSpec((1, EMBED), lambda i: (0, 0)),
            pl.BlockSpec((EMBED, EMBED), lambda i: (0, 0)),
            pl.BlockSpec((1, EMBED), lambda i: (0, 0)),
            pl.BlockSpec((EMBED, EMBED), lambda i: (0, 0)),
            pl.BlockSpec((1, EMBED), lambda i: (0, 0)),
        ],
        out_specs=pl.BlockSpec((BLK, EMBED), lambda i: (i, 0)),
        out_shape=jax.ShapeDtypeStruct((N_NODES, EMBED), jnp.float32),
    )(pr, x, W_edge, b_edge, W1, b1, W2, b2)


def kernel(x, edge_index, rbf_feature, angle_feature, W_edge, b_edge,
           W1, b1, W2, b2):
    row = edge_index[0].astype(jnp.int32).reshape(ROWS, 1, EC)
    partials = _sc_scatter(row, rbf_feature, angle_feature)
    pr = partials.reshape(NC, N_PAD, RBF)
    return _tc_combine(pr, x,
                       W_edge, b_edge.reshape(1, EMBED),
                       W1, b1.reshape(1, EMBED),
                       W2, b2.reshape(1, EMBED))

# --- scband reference (transcript-rebuilt; emitter-appended) ---
"""Pipeline reference for scband-gsphere-net-layer-37220186587497 (READ-ONLY COPY).

The authoritative reference and input builder live on the scoring server;
editing this copy changes nothing except your own understanding.
"""

import jax, jax.numpy as jnp
import numpy as np

N_NODES = 10000
N_EDGES = 320000
EMBED = 128
RBF = 64
ANG = 32


def setup_inputs(seed: int = 0) -> dict:
    key = jax.random.key(seed)
    ks = jax.random.split(key, 10)
    x = jax.random.normal(ks[0], (N_NODES, EMBED), dtype=jnp.float32)
    edge_index = jax.random.randint(ks[1], (2, N_EDGES), 0, N_NODES, dtype=jnp.int64)
    rbf_feature = jax.random.normal(ks[2], (N_EDGES, RBF), dtype=jnp.float32)
    angle_feature = jax.random.normal(ks[3], (N_EDGES, ANG), dtype=jnp.float32)
    # parameters (nn.Linear style: y = x @ W.T + b; store pre-transposed for jnp)
    s_e = 1.0 / np.sqrt(RBF + ANG)
    W_edge = jax.random.uniform(ks[4], (RBF + ANG, EMBED), dtype=jnp.float32, minval=-s_e, maxval=s_e)
    b_edge = jax.random.uniform(ks[5], (EMBED,), dtype=jnp.float32, minval=-s_e, maxval=s_e)
    s_h = 1.0 / np.sqrt(EMBED)
    W1 = jax.random.uniform(ks[6], (EMBED, EMBED), dtype=jnp.float32, minval=-s_h, maxval=s_h)
    b1 = jax.random.uniform(ks[7], (EMBED,), dtype=jnp.float32, minval=-s_h, maxval=s_h)
    W2 = jax.random.uniform(ks[8], (EMBED, EMBED), dtype=jnp.float32, minval=-s_h, maxval=s_h)
    b2 = jax.random.uniform(ks[9], (EMBED,), dtype=jnp.float32, minval=-s_h, maxval=s_h)
    return {"x": x, "edge_index": edge_index, "rbf_feature": rbf_feature,
            "angle_feature": angle_feature, "W_edge": W_edge, "b_edge": b_edge,
            "W1": W1, "b1": b1, "W2": W2, "b2": b2}


def reference(x, edge_index, rbf_feature, angle_feature, W_edge, b_edge, W1, b1, W2, b2):
    row = edge_index[0]
    edge_feat = jnp.concatenate([rbf_feature, angle_feature], axis=-1)
    msg = edge_feat @ W_edge + b_edge
    agg = jnp.zeros_like(x).at[row].add(msg)
    h = jnp.maximum(agg @ W1 + b1, 0.0) @ W2 + b2
    return x + h

if __name__ == "__main__":
    import jax
    _d = setup_inputs()
    print(jax.jit(kernel)(*tuple(_d.values())))

</pallas_src>

<mosaic_0001>
#map = affine_map<(d0, d1) -> (0, 0, 0)>
#map1 = affine_map<(d0, d1) -> (0, 0)>
module attributes {stable_mosaic.version = 14 : i64} {
  func.func @_sc_body(%arg0: i32, %arg1: i32, %arg2: memref<2500x1x128xi32, #tpu.memory_space<hbm>>, %arg3: memref<320000x64xf32, #tpu.memory_space<hbm>>, %arg4: memref<320000x32xf32, #tpu.memory_space<hbm>>, %arg5: memref<20480x64xf32, #tpu.memory_space<hbm>>, %arg6: memref<1x128xi32, #tpu.memory_space<vmem>>, %arg7: memref<128x64xf32, #tpu.memory_space<vmem>>, %arg8: memref<640x64xf32, #tpu.memory_space<vmem>>, %arg9: memref<10240x64xf32, #tpu.memory_space<vmem_shared>>) attributes {dimension_semantics = [#tpu.dimension_semantics<core_parallel>, #tpu.dimension_semantics<subcore_parallel>], iteration_bounds = array<i64: 2, 16>, scalar_prefetch = 0 : i64, scratch_operands = 4 : i64, tpu.core_type = #tpu.core_type<sc_vector_subcore>, window_params = [{transform_indices = #map}, {transform_indices = #map1}, {transform_indices = #map1}, {transform_indices = #map1}]} {
    %broadcast_in_dim3A = arith.constant 0.000000e+00 : f32
    %broadcast_in_dim3A_0 = vector.broadcast %broadcast_in_dim3A : f32 to vector<16xf32>
    %scan3A = arith.constant 0 : i32
    %scan3A_1 = arith.constant 0 : i32
    %scan3A_2 = arith.constant 640 : i32
    %scan3A_3 = arith.addi %scan3A_1, %scan3A_2 : i32
    %scan3A_4 = arith.constant 1 : i32
    %scan3A_5 = scf.for %scan3A_26 = %scan3A_1 to %scan3A_3 step %scan3A_4 iter_args(%scan3A_27 = %scan3A) -> (i32)  : i32 {
      %swap3A = arith.index_cast %scan3A_26 : i32 to index
      %swap3A_28 = arith.constant 0 : index
      %swap3A_29 = tpu.vector_load %arg8[%swap3A, %swap3A_28] {strides = array<i32>} : memref<640x64xf32, #tpu.memory_space<vmem>>, vector<1x16xf32>,
      %swap3A_30 = vector.shape_cast %swap3A_29 : vector<1x16xf32> to vector<16xf32>
      %swap3A_31 = vector.shape_cast %broadcast_in_dim3A_0 : vector<16xf32> to vector<1x16xf32>
      tpu.vector_store %arg8[%swap3A, %swap3A_28], %swap3A_31 {strides = array<i32>} : memref<640x64xf32, #tpu.memory_space<vmem>>, vector<1x16xf32>,
      %swap3A_32 = arith.index_cast %scan3A_26 : i32 to index
      %swap3A_33 = arith.constant 16 : index
      %swap3A_34 = tpu.vector_load %arg8[%swap3A_32, %swap3A_33] {strides = array<i32>} : memref<640x64xf32, #tpu.memory_space<vmem>>, vector<1x16xf32>,
      %swap3A_35 = vector.shape_cast %swap3A_34 : vector<1x16xf32> to vector<16xf32>
      %swap3A_36 = vector.shape_cast %broadcast_in_dim3A_0 : vector<16xf32> to vector<1x16xf32>
      tpu.vector_store %arg8[%swap3A_32, %swap3A_33], %swap3A_36 {strides = array<i32>} : memref<640x64xf32, #tpu.memory_space<vmem>>, vector<1x16xf32>,
      %swap3A_37 = arith.index_cast %scan3A_26 : i32 to index
      %swap3A_38 = arith.constant 32 : index
      %swap3A_39 = tpu.vector_load %arg8[%swap3A_37, %swap3A_38] {strides = array<i32>} : memref<640x64xf32, #tpu.memory_space<vmem>>, vector<1x16xf32>,
      %swap3A_40 = vector.shape_cast %swap3A_39 : vector<1x16xf32> to vector<16xf32>
      %swap3A_41 = vector.shape_cast %broadcast_in_dim3A_0 : vector<16xf32> to vector<1x16xf32>
      tpu.vector_store %arg8[%swap3A_37, %swap3A_38], %swap3A_41 {strides = array<i32>} : memref<640x64xf32, #tpu.memory_space<vmem>>, vector<1x16xf32>,
      %swap3A_42 = arith.index_cast %scan3A_26 : i32 to index
      %swap3A_43 = arith.constant 48 : index
      %swap3A_44 = tpu.vector_load %arg8[%swap3A_42, %swap3A_43] {strides = array<i32>} : memref<640x64xf32, #tpu.memory_space<vmem>>, vector<1x16xf32>,
      %swap3A_45 = vector.shape_cast %swap3A_44 : vector<1x16xf32> to vector<16xf32>
      %swap3A_46 = vector.shape_cast %broadcast_in_dim3A_0 : vector<16xf32> to vector<1x16xf32>
      tpu.vector_store %arg8[%swap3A_42, %swap3A_43], %swap3A_46 {strides = array<i32>} : memref<640x64xf32, #tpu.memory_space<vmem>>, vector<1x16xf32>,
      %scan3A_47 = arith.constant 0 : i32
      scf.yield %scan3A_47 : i32
    }
    %scan3A_6 = arith.constant 640 : i32
    %mul3A = arith.constant 640 : i32
    %mul3A_7 = arith.muli %arg1, %mul3A : i32
    "tpu.region"() ({
      %run_scoped3A = tpu.sem_alloc : memref<!tpu.dma_semaphore, #tpu.memory_space<semaphore_mem>>
      %dma_start3A = arith.constant 0 : i32
      %dma_start3A_26 = tpu.memref_slice %arg9[%mul3A_7, %dma_start3A] : memref<10240x64xf32, #tpu.memory_space<vmem_shared>> -> memref<640x64xf32, #tpu.memory_space<vmem_shared>>
      %dma_start3A_27 = arith.constant 0 : i32
      %dma_start3A_28 = tpu.memref_slice %arg9[%mul3A_7, %dma_start3A_27] : memref<10240x64xf32, #tpu.memory_space<vmem_shared>> -> memref<640x64xf32, #tpu.memory_space<vmem_shared>>
      tpu.enqueue_dma source(%arg8 : memref<640x64xf32, #tpu.memory_space<vmem>>) target(%dma_start3A_28 : memref<640x64xf32, #tpu.memory_space<vmem_shared>>) target_semaphore(%run_scoped3A : memref<!tpu.dma_semaphore, #tpu.memory_space<semaphore_mem>>)
      %dma_wait3A = arith.constant 0 : i32
      %dma_wait3A_29 = tpu.memref_slice %arg9[%mul3A_7, %dma_wait3A] : memref<10240x64xf32, #tpu.memory_space<vmem_shared>> -> memref<640x64xf32, #tpu.memory_space<vmem_shared>>
      %dma_wait3A_30 = arith.constant 0 : i32
      %dma_wait3A_31 = tpu.memref_slice %arg9[%mul3A_7, %dma_wait3A_30] : memref<10240x64xf32, #tpu.memory_space<vmem_shared>> -> memref<640x64xf32, #tpu.memory_space<vmem_shared>>
      tpu.wait_dma2 semaphore(%run_scoped3A : memref<!tpu.dma_semaphore, #tpu.memory_space<semaphore_mem>>) src(%arg8 : memref<640x64xf32, #tpu.memory_space<vmem>>) dst(%dma_wait3A_31 : memref<640x64xf32, #tpu.memory_space<vmem_shared>>)
      tpu.yield
    }) : () -> ()
    %eq3A = arith.constant 1 : i32
    %eq3A_8 = arith.cmpi eq, %arg0, %eq3A : i32
    %convert_element_type3A = arith.extui %eq3A_8 : i1 to i32
    %cond3A = arith.constant 0 : i32
    %cond3A_9 = arith.cmpi ne, %convert_element_type3A, %cond3A : i32
    scf.if %cond3A_9 {
      %broadcast_in_dim3A_26 = arith.constant 1.000000e+00 : f32
      %broadcast_in_dim3A_27 = vector.broadcast %broadcast_in_dim3A_26 : f32 to vector<16xf32>
      %scan3A_28 = arith.constant 0 : i32
      %scan3A_29 = arith.constant 0 : i32
      %scan3A_30 = arith.constant 128 : i32
      %scan3A_31 = arith.addi %scan3A_29, %scan3A_30 : i32
      %scan3A_32 = arith.constant 1 : i32
      %scan3A_33 = scf.for %scan3A_35 = %scan3A_29 to %scan3A_31 step %scan3A_32 iter_args(%scan3A_36 = %scan3A_28) -> (i32)  : i32 {
        %swap3A = arith.index_cast %scan3A_35 : i32 to index
        %swap3A_37 = arith.constant 32 : index
        %swap3A_38 = tpu.vector_load %arg7[%swap3A, %swap3A_37] {strides = array<i32>} : memref<128x64xf32, #tpu.memory_space<vmem>>, vector<1x16xf32>,
        %swap3A_39 = vector.shape_cast %swap3A_38 : vector<1x16xf32> to vector<16xf32>
        %swap3A_40 = vector.shape_cast %broadcast_in_dim3A_27 : vector<16xf32> to vector<1x16xf32>
        tpu.vector_store %arg7[%swap3A, %swap3A_37], %swap3A_40 {strides = array<i32>} : memref<128x64xf32, #tpu.memory_space<vmem>>, vector<1x16xf32>,
        %swap3A_41 = arith.index_cast %scan3A_35 : i32 to index
        %swap3A_42 = arith.constant 48 : index
        %swap3A_43 = tpu.vector_load %arg7[%swap3A_41, %swap3A_42] {strides = array<i32>} : memref<128x64xf32, #tpu.memory_space<vmem>>, vector<1x16xf32>,
        %swap3A_44 = vector.shape_cast %swap3A_43 : vector<1x16xf32> to vector<16xf32>
        %swap3A_45 = vector.shape_cast %broadcast_in_dim3A_27 : vector<16xf32> to vector<1x16xf32>
        tpu.vector_store %arg7[%swap3A_41, %swap3A_42], %swap3A_45 {strides = array<i32>} : memref<128x64xf32, #tpu.memory_space<vmem>>, vector<1x16xf32>,
        %scan3A_46 = arith.constant 0 : i32
        scf.yield %scan3A_46 : i32
      }
      %scan3A_34 = arith.constant 128 : i32
    } else {
    }
    %barrier3A = arith.constant 0 : index
    tpu.barrier barrier_id(%barrier3A)
    %lt3A = arith.constant 4 : i32
    %lt3A_10 = arith.cmpi slt, %arg1, %lt3A : i32
    %jit3A = arith.constant 157 : i32
    %jit3A_11 = arith.constant 156 : i32
    %select_n3A = arith.select %lt3A_10, %jit3A, %jit3A_11 : i32
    %while3A = arith.constant 0 : i32
    %while3A_12 = arith.constant 0 : i32
    %while3A_13 = arith.subi %select_n3A, %while3A : i32
    %while3A_14 = arith.addi %while3A, %while3A_13 : i32
    %while3A_15 = arith.constant 1 : i32
    %while3A_16 = arith.divsi %while3A_13, %while3A_15 : i32
    %while3A_17 = arith.muli %while3A_16, %while3A_15 : i32
    %while3A_18 = arith.addi %while3A, %while3A_17 : i32
    %while3A_19 = arith.constant 1 : i32
    %while3A_20 = scf.for %while3A_26 = %while3A to %while3A_18 step %while3A_19 iter_args(%while3A_27 = %while3A_12) -> (i32)  : i32 {
      %mul3A_28 = arith.constant 16 : i32
      %mul3A_29 = arith.muli %mul3A_28, %while3A_26 : i32
      %add3A_30 = arith.addi %arg1, %mul3A_29 : i32
      "tpu.region"() ({
        %run_scoped3A = tpu.sem_alloc : memref<!tpu.dma_semaphore, #tpu.memory_space<semaphore_mem>>
        %dma_start3A = arith.constant 0 : i32
        %dma_start3A_44 = arith.constant 0 : i32
        %dma_start3A_45 = tpu.memref_slice %arg2[%add3A_30, %dma_start3A, %dma_start3A_44] : memref<2500x1x128xi32, #tpu.memory_space<hbm>> -> memref<1x1x128xi32, #tpu.memory_space<hbm>>
        %dma_start3A_46 = tpu.memref_squeeze %dma_start3A_45 : memref<1x1x128xi32, #tpu.memory_space<hbm>> -> memref<1x128xi32, #tpu.memory_space<hbm>>
        %dma_start3A_47 = arith.constant 0 : i32
        %dma_start3A_48 = arith.constant 0 : i32
        %dma_start3A_49 = tpu.memref_slice %arg2[%add3A_30, %dma_start3A_47, %dma_start3A_48] : memref<2500x1x128xi32, #tpu.memory_space<hbm>> -> memref<1x1x128xi32, #tpu.memory_space<hbm>>
        %dma_start3A_50 = tpu.memref_squeeze %dma_start3A_49 : memref<1x1x128xi32, #tpu.memory_space<hbm>> -> memref<1x128xi32, #tpu.memory_space<hbm>>
        tpu.enqueue_dma source(%dma_start3A_50 : memref<1x128xi32, #tpu.memory_space<hbm>>) target(%arg6 : memref<1x128xi32, #tpu.memory_space<vmem>>) target_semaphore(%run_scoped3A : memref<!tpu.dma_semaphore, #tpu.memory_space<semaphore_mem>>)
        %dma_wait3A = arith.constant 0 : i32
        %dma_wait3A_51 = arith.constant 0 : i32
        %dma_wait3A_52 = tpu.memref_slice %arg2[%add3A_30, %dma_wait3A, %dma_wait3A_51] : memref<2500x1x128xi32, #tpu.memory_space<hbm>> -> memref<1x1x128xi32, #tpu.memory_space<hbm>>
        %dma_wait3A_53 = tpu.memref_squeeze %dma_wait3A_52 : memref<1x1x128xi32, #tpu.memory_space<hbm>> -> memref<1x128xi32, #tpu.memory_space<hbm>>
        %dma_wait3A_54 = arith.constant 0 : i32
        %dma_wait3A_55 = arith.constant 0 : i32
        %dma_wait3A_56 = tpu.memref_slice %arg2[%add3A_30, %dma_wait3A_54, %dma_wait3A_55] : memref<2500x1x128xi32, #tpu.memory_space<hbm>> -> memref<1x1x128xi32, #tpu.memory_space<hbm>>
        %dma_wait3A_57 = tpu.memref_squeeze %dma_wait3A_56 : memref<1x1x128xi32, #tpu.memory_space<hbm>> -> memref<1x128xi32, #tpu.memory_space<hbm>>
        tpu.wait_dma2 semaphore(%run_scoped3A : memref<!tpu.dma_semaphore, #tpu.memory_space<semaphore_mem>>) src(%dma_wait3A_57 : memref<1x128xi32, #tpu.memory_space<hbm>>) dst(%arg6 : memref<1x128xi32, #tpu.memory_space<vmem>>)
        tpu.yield
      }) : () -> ()
      %mul3A_31 = arith.constant 128 : i32
      %mul3A_32 = arith.muli %add3A_30, %mul3A_31 : i32
      %eq3A_33 = arith.constant 0 : i32
      %eq3A_34 = arith.cmpi eq, %arg0, %eq3A_33 : i32
      %convert_element_type3A_35 = arith.extui %eq3A_34 : i1 to i32
      %cond3A_36 = arith.constant 0 : i32
      %cond3A_37 = arith.cmpi ne, %convert_element_type3A_35, %cond3A_36 : i32
      scf.if %cond3A_37 {
        "tpu.region"() ({
          %run_scoped3A_44 = tpu.sem_alloc : memref<!tpu.dma_semaphore, #tpu.memory_space<semaphore_mem>>
          %dma_start3A = arith.constant 0 : i32
          %dma_start3A_45 = tpu.memref_slice %arg3[%mul3A_32, %dma_start3A] : memref<320000x64xf32, #tpu.memory_space<hbm>> -> memref<128x64xf32, #tpu.memory_space<hbm>>
          %dma_start3A_46 = arith.constant 0 : i32
          %dma_start3A_47 = tpu.memref_slice %arg3[%mul3A_32, %dma_start3A_46] : memref<320000x64xf32, #tpu.memory_space<hbm>> -> memref<128x64xf32, #tpu.memory_space<hbm>>
          tpu.enqueue_dma source(%dma_start3A_47 : memref<128x64xf32, #tpu.memory_space<hbm>>) target(%arg7 : memref<128x64xf32, #tpu.memory_space<vmem>>) target_semaphore(%run_scoped3A_44 : memref<!tpu.dma_semaphore, #tpu.memory_space<semaphore_mem>>)
          %dma_wait3A = arith.constant 0 : i32
          %dma_wait3A_48 = tpu.memref_slice %arg3[%mul3A_32, %dma_wait3A] : memref<320000x64xf32, #tpu.memory_space<hbm>> -> memref<128x64xf32, #tpu.memory_space<hbm>>
          %dma_wait3A_49 = arith.constant 0 : i32
          %dma_wait3A_50 = tpu.memref_slice %arg3[%mul3A_32, %dma_wait3A_49] : memref<320000x64xf32, #tpu.memory_space<hbm>> -> memref<128x64xf32, #tpu.memory_space<hbm>>
          tpu.wait_dma2 semaphore(%run_scoped3A_44 : memref<!tpu.dma_semaphore, #tpu.memory_space<semaphore_mem>>) src(%dma_wait3A_50 : memref<128x64xf32, #tpu.memory_space<hbm>>) dst(%arg7 : memref<128x64xf32, #tpu.memory_space<vmem>>)
          tpu.yield
        }) : () -> ()
        %run_scoped3A = arith.constant 0 : i32
        "tpu.region"() ({
          %run_scoped3A_44 = tpu.sem_alloc : memref<!tpu.dma_semaphore, #tpu.memory_space<semaphore_mem>>
          %dma_start3A = arith.constant 0 : i32
          %dma_start3A_45 = tpu.memref_slice %arg6[%run_scoped3A, %dma_start3A] : memref<1x128xi32, #tpu.memory_space<vmem>> -> memref<1x128xi32, #tpu.memory_space<vmem>>
          %dma_start3A_46 = tpu.memref_squeeze %dma_start3A_45 : memref<1x128xi32, #tpu.memory_space<vmem>> -> memref<128xi32, #tpu.memory_space<vmem>>
          %dma_start3A_47 = arith.constant 0 : i32
          %dma_start3A_48 = arith.constant 0 : i32
          %dma_start3A_49 = tpu.memref_slice %arg9[%dma_start3A_47, %dma_start3A_48] : memref<10240x64xf32, #tpu.memory_space<vmem_shared>> -> memref<10240x64xf32, #tpu.memory_space<vmem_shared>>
          tpu.enqueue_indirect_dma source(%arg7 : memref<128x64xf32, #tpu.memory_space<vmem>>) target(%dma_start3A_49 : memref<10240x64xf32, #tpu.memory_space<vmem_shared>>) offsets(%dma_start3A_46 : memref<128xi32, #tpu.memory_space<vmem>>) semaphore(%run_scoped3A_44 : memref<!tpu.dma_semaphore, #tpu.memory_space<semaphore_mem>>) {add = true}
          %dma_wait3A = arith.constant 0 : i32
          %dma_wait3A_50 = tpu.memref_slice %arg6[%run_scoped3A, %dma_wait3A] : memref<1x128xi32, #tpu.memory_space<vmem>> -> memref<1x128xi32, #tpu.memory_space<vmem>>
          %dma_wait3A_51 = tpu.memref_squeeze %dma_wait3A_50 : memref<1x128xi32, #tpu.memory_space<vmem>> -> memref<128xi32, #tpu.memory_space<vmem>>
          %dma_wait3A_52 = arith.constant 0 : i32
          %dma_wait3A_53 = arith.constant 0 : i32
          %dma_wait3A_54 = tpu.memref_slice %arg9[%dma_wait3A_52, %dma_wait3A_53] : memref<10240x64xf32, #tpu.memory_space<vmem_shared>> -> memref<10240x64xf32, #tpu.memory_space<vmem_shared>>
          tpu.wait_indirect_dma semaphore(%run_scoped3A_44 : memref<!tpu.dma_semaphore, #tpu.memory_space<semaphore_mem>>) src(%arg7 : memref<128x64xf32, #tpu.memory_space<vmem>>) dst(%dma_wait3A_54 : memref<10240x64xf32, #tpu.memory_space<vmem_shared>>)
          tpu.yield
        }) : () -> ()
      } else {
      }
      %eq3A_38 = arith.constant 1 : i32
      %eq3A_39 = arith.cmpi eq, %arg0, %eq3A_38 : i32
      %convert_element_type3A_40 = arith.extui %eq3A_39 : i1 to i32
      %cond3A_41 = arith.constant 0 : i32
      %cond3A_42 = arith.cmpi ne, %convert_element_type3A_40, %cond3A_41 : i32
      scf.if %cond3A_42 {
        "tpu.region"() ({
          %run_scoped3A_44 = tpu.sem_alloc : memref<!tpu.dma_semaphore, #tpu.memory_space<semaphore_mem>>
          %dma_start3A = arith.constant 0 : i32
          %dma_start3A_45 = arith.constant 0 : i32
          %dma_start3A_46 = tpu.memref_slice %arg7[%dma_start3A, %dma_start3A_45] : memref<128x64xf32, #tpu.memory_space<vmem>> -> memref<128x32xf32, #tpu.memory_space<vmem>>
          %dma_start3A_47 = arith.constant 0 : i32
          %dma_start3A_48 = tpu.memref_slice %arg4[%mul3A_32, %dma_start3A_47] : memref<320000x32xf32, #tpu.memory_space<hbm>> -> memref<128x32xf32, #tpu.memory_space<hbm>>
          %dma_start3A_49 = arith.constant 0 : i32
          %dma_start3A_50 = arith.constant 0 : i32
          %dma_start3A_51 = tpu.memref_slice %arg7[%dma_start3A_49, %dma_start3A_50] : memref<128x64xf32, #tpu.memory_space<vmem>> -> memref<128x32xf32, #tpu.memory_space<vmem>>
          %dma_start3A_52 = arith.constant 0 : i32
          %dma_start3A_53 = tpu.memref_slice %arg4[%mul3A_32, %dma_start3A_52] : memref<320000x32xf32, #tpu.memory_space<hbm>> -> memref<128x32xf32, #tpu.memory_space<hbm>>
          tpu.enqueue_dma source(%dma_start3A_53 : memref<128x32xf32, #tpu.memory_space<hbm>>) target(%dma_start3A_51 : memref<128x32xf32, #tpu.memory_space<vmem>>) target_semaphore(%run_scoped3A_44 : memref<!tpu.dma_semaphore, #tpu.memory_space<semaphore_mem>>)
          %dma_wait3A = arith.constant 0 : i32
          %dma_wait3A_54 = arith.constant 0 : i32
          %dma_wait3A_55 = tpu.memref_slice %arg7[%dma_wait3A, %dma_wait3A_54] : memref<128x64xf32, #tpu.memory_space<vmem>> -> memref<128x32xf32, #tpu.memory_space<vmem>>
          %dma_wait3A_56 = arith.constant 0 : i32
          %dma_wait3A_57 = tpu.memref_slice %arg4[%mul3A_32, %dma_wait3A_56] : memref<320000x32xf32, #tpu.memory_space<hbm>> -> memref<128x32xf32, #tpu.memory_space<hbm>>
          %dma_wait3A_58 = arith.constant 0 : i32
          %dma_wait3A_59 = arith.constant 0 : i32
          %dma_wait3A_60 = tpu.memref_slice %arg7[%dma_wait3A_58, %dma_wait3A_59] : memref<128x64xf32, #tpu.memory_space<vmem>> -> memref<128x32xf32, #tpu.memory_space<vmem>>
          %dma_wait3A_61 = arith.constant 0 : i32
          %dma_wait3A_62 = tpu.memref_slice %arg4[%mul3A_32, %dma_wait3A_61] : memref<320000x32xf32, #tpu.memory_space<hbm>> -> memref<128x32xf32, #tpu.memory_space<hbm>>
          tpu.wait_dma2 semaphore(%run_scoped3A_44 : memref<!tpu.dma_semaphore, #tpu.memory_space<semaphore_mem>>) src(%dma_wait3A_62 : memref<128x32xf32, #tpu.memory_space<hbm>>) dst(%dma_wait3A_60 : memref<128x32xf32, #tpu.memory_space<vmem>>)
          tpu.yield
        }) : () -> ()
        %run_scoped3A = arith.constant 0 : i32
        "tpu.region"() ({
          %run_scoped3A_44 = tpu.sem_alloc : memref<!tpu.dma_semaphore, #tpu.memory_space<semaphore_mem>>
          %dma_start3A = arith.constant 0 : i32
          %dma_start3A_45 = tpu.memref_slice %arg6[%run_scoped3A, %dma_start3A] : memref<1x128xi32, #tpu.memory_space<vmem>> -> memref<1x128xi32, #tpu.memory_space<vmem>>
          %dma_start3A_46 = tpu.memref_squeeze %dma_start3A_45 : memref<1x128xi32, #tpu.memory_space<vmem>> -> memref<128xi32, #tpu.memory_space<vmem>>
          %dma_start3A_47 = arith.constant 0 : i32
          %dma_start3A_48 = arith.constant 0 : i32
          %dma_start3A_49 = tpu.memref_slice %arg9[%dma_start3A_47, %dma_start3A_48] : memref<10240x64xf32, #tpu.memory_space<vmem_shared>> -> memref<10240x64xf32, #tpu.memory_space<vmem_shared>>
          tpu.enqueue_indirect_dma source(%arg7 : memref<128x64xf32, #tpu.memory_space<vmem>>) target(%dma_start3A_49 : memref<10240x64xf32, #tpu.memory_space<vmem_shared>>) offsets(%dma_start3A_46 : memref<128xi32, #tpu.memory_space<vmem>>) semaphore(%run_scoped3A_44 : memref<!tpu.dma_semaphore, #tpu.memory_space<semaphore_mem>>) {add = true}
          %dma_wait3A = arith.constant 0 : i32
          %dma_wait3A_50 = tpu.memref_slice %arg6[%run_scoped3A, %dma_wait3A] : memref<1x128xi32, #tpu.memory_space<vmem>> -> memref<1x128xi32, #tpu.memory_space<vmem>>
          %dma_wait3A_51 = tpu.memref_squeeze %dma_wait3A_50 : memref<1x128xi32, #tpu.memory_space<vmem>> -> memref<128xi32, #tpu.memory_space<vmem>>
          %dma_wait3A_52 = arith.constant 0 : i32
          %dma_wait3A_53 = arith.constant 0 : i32
          %dma_wait3A_54 = tpu.memref_slice %arg9[%dma_wait3A_52, %dma_wait3A_53] : memref<10240x64xf32, #tpu.memory_space<vmem_shared>> -> memref<10240x64xf32, #tpu.memory_space<vmem_shared>>
          tpu.wait_indirect_dma semaphore(%run_scoped3A_44 : memref<!tpu.dma_semaphore, #tpu.memory_space<semaphore_mem>>) src(%arg7 : memref<128x64xf32, #tpu.memory_space<vmem>>) dst(%dma_wait3A_54 : memref<10240x64xf32, #tpu.memory_space<vmem_shared>>)
          tpu.yield
        }) : () -> ()
      } else {
      }
      %while3A_43 = arith.constant 0 : i32
      scf.yield %while3A_43 : i32
    }
    %while3A_21 = arith.constant 1 : i32
    %while3A_22 = scf.for %while3A_26 = %while3A_18 to %while3A_14 step %while3A_21 iter_args(%while3A_27 = %while3A_20) -> (i32)  : i32 {
      %mul3A_28 = arith.constant 16 : i32
      %mul3A_29 = arith.muli %mul3A_28, %while3A_26 : i32
      %add3A_30 = arith.addi %arg1, %mul3A_29 : i32
      "tpu.region"() ({
        %run_scoped3A = tpu.sem_alloc : memref<!tpu.dma_semaphore, #tpu.memory_space<semaphore_mem>>
        %dma_start3A = arith.constant 0 : i32
        %dma_start3A_44 = arith.constant 0 : i32
        %dma_start3A_45 = tpu.memref_slice %arg2[%add3A_30, %dma_start3A, %dma_start3A_44] : memref<2500x1x128xi32, #tpu.memory_space<hbm>> -> memref<1x1x128xi32, #tpu.memory_space<hbm>>
        %dma_start3A_46 = tpu.memref_squeeze %dma_start3A_45 : memref<1x1x128xi32, #tpu.memory_space<hbm>> -> memref<1x128xi32, #tpu.memory_space<hbm>>
        %dma_start3A_47 = arith.constant 0 : i32
        %dma_start3A_48 = arith.constant 0 : i32
        %dma_start3A_49 = tpu.memref_slice %arg2[%add3A_30, %dma_start3A_47, %dma_start3A_48] : memref<2500x1x128xi32, #tpu.memory_space<hbm>> -> memref<1x1x128xi32, #tpu.memory_space<hbm>>
        %dma_start3A_50 = tpu.memref_squeeze %dma_start3A_49 : memref<1x1x128xi32, #tpu.memory_space<hbm>> -> memref<1x128xi32, #tpu.memory_space<hbm>>
        tpu.enqueue_dma source(%dma_start3A_50 : memref<1x128xi32, #tpu.memory_space<hbm>>) target(%arg6 : memref<1x128xi32, #tpu.memory_space<vmem>>) target_semaphore(%run_scoped3A : memref<!tpu.dma_semaphore, #tpu.memory_space<semaphore_mem>>)
        %dma_wait3A = arith.constant 0 : i32
        %dma_wait3A_51 = arith.constant 0 : i32
        %dma_wait3A_52 = tpu.memref_slice %arg2[%add3A_30, %dma_wait3A, %dma_wait3A_51] : memref<2500x1x128xi32, #tpu.memory_space<hbm>> -> memref<1x1x128xi32, #tpu.memory_space<hbm>>
        %dma_wait3A_53 = tpu.memref_squeeze %dma_wait3A_52 : memref<1x1x128xi32, #tpu.memory_space<hbm>> -> memref<1x128xi32, #tpu.memory_space<hbm>>
        %dma_wait3A_54 = arith.constant 0 : i32
        %dma_wait3A_55 = arith.constant 0 : i32
        %dma_wait3A_56 = tpu.memref_slice %arg2[%add3A_30, %dma_wait3A_54, %dma_wait3A_55] : memref<2500x1x128xi32, #tpu.memory_space<hbm>> -> memref<1x1x128xi32, #tpu.memory_space<hbm>>
        %dma_wait3A_57 = tpu.memref_squeeze %dma_wait3A_56 : memref<1x1x128xi32, #tpu.memory_space<hbm>> -> memref<1x128xi32, #tpu.memory_space<hbm>>
        tpu.wait_dma2 semaphore(%run_scoped3A : memref<!tpu.dma_semaphore, #tpu.memory_space<semaphore_mem>>) src(%dma_wait3A_57 : memref<1x128xi32, #tpu.memory_space<hbm>>) dst(%arg6 : memref<1x128xi32, #tpu.memory_space<vmem>>)
        tpu.yield
      }) : () -> ()
      %mul3A_31 = arith.constant 128 : i32
      %mul3A_32 = arith.muli %add3A_30, %mul3A_31 : i32
      %eq3A_33 = arith.constant 0 : i32
      %eq3A_34 = arith.cmpi eq, %arg0, %eq3A_33 : i32
      %convert_element_type3A_35 = arith.extui %eq3A_34 : i1 to i32
      %cond3A_36 = arith.constant 0 : i32
      %cond3A_37 = arith.cmpi ne, %convert_element_type3A_35, %cond3A_36 : i32
      scf.if %cond3A_37 {
        "tpu.region"() ({
          %run_scoped3A_44 = tpu.sem_alloc : memref<!tpu.dma_semaphore, #tpu.memory_space<semaphore_mem>>
          %dma_start3A = arith.constant 0 : i32
          %dma_start3A_45 = tpu.memref_slice %arg3[%mul3A_32, %dma_start3A] : memref<320000x64xf32, #tpu.memory_space<hbm>> -> memref<128x64xf32, #tpu.memory_space<hbm>>
          %dma_start3A_46 = arith.constant 0 : i32
          %dma_start3A_47 = tpu.memref_slice %arg3[%mul3A_32, %dma_start3A_46] : memref<320000x64xf32, #tpu.memory_space<hbm>> -> memref<128x64xf32, #tpu.memory_space<hbm>>
          tpu.enqueue_dma source(%dma_start3A_47 : memref<128x64xf32, #tpu.memory_space<hbm>>) target(%arg7 : memref<128x64xf32, #tpu.memory_space<vmem>>) target_semaphore(%run_scoped3A_44 : memref<!tpu.dma_semaphore, #tpu.memory_space<semaphore_mem>>)
          %dma_wait3A = arith.constant 0 : i32
          %dma_wait3A_48 = tpu.memref_slice %arg3[%mul3A_32, %dma_wait3A] : memref<320000x64xf32, #tpu.memory_space<hbm>> -> memref<128x64xf32, #tpu.memory_space<hbm>>
          %dma_wait3A_49 = arith.constant 0 : i32
          %dma_wait3A_50 = tpu.memref_slice %arg3[%mul3A_32, %dma_wait3A_49] : memref<320000x64xf32, #tpu.memory_space<hbm>> -> memref<128x64xf32, #tpu.memory_space<hbm>>
          tpu.wait_dma2 semaphore(%run_scoped3A_44 : memref<!tpu.dma_semaphore, #tpu.memory_space<semaphore_mem>>) src(%dma_wait3A_50 : memref<128x64xf32, #tpu.memory_space<hbm>>) dst(%arg7 : memref<128x64xf32, #tpu.memory_space<vmem>>)
          tpu.yield
        }) : () -> ()
        %run_scoped3A = arith.constant 0 : i32
        "tpu.region"() ({
          %run_scoped3A_44 = tpu.sem_alloc : memref<!tpu.dma_semaphore, #tpu.memory_space<semaphore_mem>>
          %dma_start3A = arith.constant 0 : i32
          %dma_start3A_45 = tpu.memref_slice %arg6[%run_scoped3A, %dma_start3A] : memref<1x128xi32, #tpu.memory_space<vmem>> -> memref<1x128xi32, #tpu.memory_space<vmem>>
          %dma_start3A_46 = tpu.memref_squeeze %dma_start3A_45 : memref<1x128xi32, #tpu.memory_space<vmem>> -> memref<128xi32, #tpu.memory_space<vmem>>
          %dma_start3A_47 = arith.constant 0 : i32
          %dma_start3A_48 = arith.constant 0 : i32
          %dma_start3A_49 = tpu.memref_slice %arg9[%dma_start3A_47, %dma_start3A_48] : memref<10240x64xf32, #tpu.memory_space<vmem_shared>> -> memref<10240x64xf32, #tpu.memory_space<vmem_shared>>
          tpu.enqueue_indirect_dma source(%arg7 : memref<128x64xf32, #tpu.memory_space<vmem>>) target(%dma_start3A_49 : memref<10240x64xf32, #tpu.memory_space<vmem_shared>>) offsets(%dma_start3A_46 : memref<128xi32, #tpu.memory_space<vmem>>) semaphore(%run_scoped3A_44 : memref<!tpu.dma_semaphore, #tpu.memory_space<semaphore_mem>>) {add = true}
          %dma_wait3A = arith.constant 0 : i32
          %dma_wait3A_50 = tpu.memref_slice %arg6[%run_scoped3A, %dma_wait3A] : memref<1x128xi32, #tpu.memory_space<vmem>> -> memref<1x128xi32, #tpu.memory_space<vmem>>
          %dma_wait3A_51 = tpu.memref_squeeze %dma_wait3A_50 : memref<1x128xi32, #tpu.memory_space<vmem>> -> memref<128xi32, #tpu.memory_space<vmem>>
          %dma_wait3A_52 = arith.constant 0 : i32
          %dma_wait3A_53 = arith.constant 0 : i32
          %dma_wait3A_54 = tpu.memref_slice %arg9[%dma_wait3A_52, %dma_wait3A_53] : memref<10240x64xf32, #tpu.memory_space<vmem_shared>> -> memref<10240x64xf32, #tpu.memory_space<vmem_shared>>
          tpu.wait_indirect_dma semaphore(%run_scoped3A_44 : memref<!tpu.dma_semaphore, #tpu.memory_space<semaphore_mem>>) src(%arg7 : memref<128x64xf32, #tpu.memory_space<vmem>>) dst(%dma_wait3A_54 : memref<10240x64xf32, #tpu.memory_space<vmem_shared>>)
          tpu.yield
        }) : () -> ()
      } else {
      }
      %eq3A_38 = arith.constant 1 : i32
      %eq3A_39 = arith.cmpi eq, %arg0, %eq3A_38 : i32
      %convert_element_type3A_40 = arith.extui %eq3A_39 : i1 to i32
      %cond3A_41 = arith.constant 0 : i32
      %cond3A_42 = arith.cmpi ne, %convert_element_type3A_40, %cond3A_41 : i32
      scf.if %cond3A_42 {
        "tpu.region"() ({
          %run_scoped3A_44 = tpu.sem_alloc : memref<!tpu.dma_semaphore, #tpu.memory_space<semaphore_mem>>
          %dma_start3A = arith.constant 0 : i32
          %dma_start3A_45 = arith.constant 0 : i32
          %dma_start3A_46 = tpu.memref_slice %arg7[%dma_start3A, %dma_start3A_45] : memref<128x64xf32, #tpu.memory_space<vmem>> -> memref<128x32xf32, #tpu.memory_space<vmem>>
          %dma_start3A_47 = arith.constant 0 : i32
          %dma_start3A_48 = tpu.memref_slice %arg4[%mul3A_32, %dma_start3A_47] : memref<320000x32xf32, #tpu.memory_space<hbm>> -> memref<128x32xf32, #tpu.memory_space<hbm>>
          %dma_start3A_49 = arith.constant 0 : i32
          %dma_start3A_50 = arith.constant 0 : i32
          %dma_start3A_51 = tpu.memref_slice %arg7[%dma_start3A_49, %dma_start3A_50] : memref<128x64xf32, #tpu.memory_space<vmem>> -> memref<128x32xf32, #tpu.memory_space<vmem>>
          %dma_start3A_52 = arith.constant 0 : i32
          %dma_start3A_53 = tpu.memref_slice %arg4[%mul3A_32, %dma_start3A_52] : memref<320000x32xf32, #tpu.memory_space<hbm>> -> memref<128x32xf32, #tpu.memory_space<hbm>>
          tpu.enqueue_dma source(%dma_start3A_53 : memref<128x32xf32, #tpu.memory_space<hbm>>) target(%dma_start3A_51 : memref<128x32xf32, #tpu.memory_space<vmem>>) target_semaphore(%run_scoped3A_44 : memref<!tpu.dma_semaphore, #tpu.memory_space<semaphore_mem>>)
          %dma_wait3A = arith.constant 0 : i32
          %dma_wait3A_54 = arith.constant 0 : i32
          %dma_wait3A_55 = tpu.memref_slice %arg7[%dma_wait3A, %dma_wait3A_54] : memref<128x64xf32, #tpu.memory_space<vmem>> -> memref<128x32xf32, #tpu.memory_space<vmem>>
          %dma_wait3A_56 = arith.constant 0 : i32
          %dma_wait3A_57 = tpu.memref_slice %arg4[%mul3A_32, %dma_wait3A_56] : memref<320000x32xf32, #tpu.memory_space<hbm>> -> memref<128x32xf32, #tpu.memory_space<hbm>>
          %dma_wait3A_58 = arith.constant 0 : i32
          %dma_wait3A_59 = arith.constant 0 : i32
          %dma_wait3A_60 = tpu.memref_slice %arg7[%dma_wait3A_58, %dma_wait3A_59] : memref<128x64xf32, #tpu.memory_space<vmem>> -> memref<128x32xf32, #tpu.memory_space<vmem>>
          %dma_wait3A_61 = arith.constant 0 : i32
          %dma_wait3A_62 = tpu.memref_slice %arg4[%mul3A_32, %dma_wait3A_61] : memref<320000x32xf32, #tpu.memory_space<hbm>> -> memref<128x32xf32, #tpu.memory_space<hbm>>
          tpu.wait_dma2 semaphore(%run_scoped3A_44 : memref<!tpu.dma_semaphore, #tpu.memory_space<semaphore_mem>>) src(%dma_wait3A_62 : memref<128x32xf32, #tpu.memory_space<hbm>>) dst(%dma_wait3A_60 : memref<128x32xf32, #tpu.memory_space<vmem>>)
          tpu.yield
        }) : () -> ()
        %run_scoped3A = arith.constant 0 : i32
        "tpu.region"() ({
          %run_scoped3A_44 = tpu.sem_alloc : memref<!tpu.dma_semaphore, #tpu.memory_space<semaphore_mem>>
          %dma_start3A = arith.constant 0 : i32
          %dma_start3A_45 = tpu.memref_slice %arg6[%run_scoped3A, %dma_start3A] : memref<1x128xi32, #tpu.memory_space<vmem>> -> memref<1x128xi32, #tpu.memory_space<vmem>>
          %dma_start3A_46 = tpu.memref_squeeze %dma_start3A_45 : memref<1x128xi32, #tpu.memory_space<vmem>> -> memref<128xi32, #tpu.memory_space<vmem>>
          %dma_start3A_47 = arith.constant 0 : i32
          %dma_start3A_48 = arith.constant 0 : i32
          %dma_start3A_49 = tpu.memref_slice %arg9[%dma_start3A_47, %dma_start3A_48] : memref<10240x64xf32, #tpu.memory_space<vmem_shared>> -> memref<10240x64xf32, #tpu.memory_space<vmem_shared>>
          tpu.enqueue_indirect_dma source(%arg7 : memref<128x64xf32, #tpu.memory_space<vmem>>) target(%dma_start3A_49 : memref<10240x64xf32, #tpu.memory_space<vmem_shared>>) offsets(%dma_start3A_46 : memref<128xi32, #tpu.memory_space<vmem>>) semaphore(%run_scoped3A_44 : memref<!tpu.dma_semaphore, #tpu.memory_space<semaphore_mem>>) {add = true}
          %dma_wait3A = arith.constant 0 : i32
          %dma_wait3A_50 = tpu.memref_slice %arg6[%run_scoped3A, %dma_wait3A] : memref<1x128xi32, #tpu.memory_space<vmem>> -> memref<1x128xi32, #tpu.memory_space<vmem>>
          %dma_wait3A_51 = tpu.memref_squeeze %dma_wait3A_50 : memref<1x128xi32, #tpu.memory_space<vmem>> -> memref<128xi32, #tpu.memory_space<vmem>>
          %dma_wait3A_52 = arith.constant 0 : i32
          %dma_wait3A_53 = arith.constant 0 : i32
          %dma_wait3A_54 = tpu.memref_slice %arg9[%dma_wait3A_52, %dma_wait3A_53] : memref<10240x64xf32, #tpu.memory_space<vmem_shared>> -> memref<10240x64xf32, #tpu.memory_space<vmem_shared>>
          tpu.wait_indirect_dma semaphore(%run_scoped3A_44 : memref<!tpu.dma_semaphore, #tpu.memory_space<semaphore_mem>>) src(%arg7 : memref<128x64xf32, #tpu.memory_space<vmem>>) dst(%dma_wait3A_54 : memref<10240x64xf32, #tpu.memory_space<vmem_shared>>)
          tpu.yield
        }) : () -> ()
      } else {
      }
      %while3A_43 = arith.constant 0 : i32
      scf.yield %while3A_43 : i32
    }
    %barrier3A_23 = arith.constant 0 : index
    tpu.barrier barrier_id(%barrier3A_23)
    "tpu.region"() ({
      %run_scoped3A = tpu.sem_alloc : memref<!tpu.dma_semaphore, #tpu.memory_space<semaphore_mem>>
      %dma_start3A = arith.constant 0 : i32
      %dma_start3A_26 = tpu.memref_slice %arg9[%mul3A_7, %dma_start3A] : memref<10240x64xf32, #tpu.memory_space<vmem_shared>> -> memref<640x64xf32, #tpu.memory_space<vmem_shared>>
      %dma_start3A_27 = arith.constant 0 : i32
      %dma_start3A_28 = tpu.memref_slice %arg9[%mul3A_7, %dma_start3A_27] : memref<10240x64xf32, #tpu.memory_space<vmem_shared>> -> memref<640x64xf32, #tpu.memory_space<vmem_shared>>
      tpu.enqueue_dma source(%dma_start3A_28 : memref<640x64xf32, #tpu.memory_space<vmem_shared>>) target(%arg8 : memref<640x64xf32, #tpu.memory_space<vmem>>) target_semaphore(%run_scoped3A : memref<!tpu.dma_semaphore, #tpu.memory_space<semaphore_mem>>)
      %dma_wait3A = arith.constant 0 : i32
      %dma_wait3A_29 = tpu.memref_slice %arg9[%mul3A_7, %dma_wait3A] : memref<10240x64xf32, #tpu.memory_space<vmem_shared>> -> memref<640x64xf32, #tpu.memory_space<vmem_shared>>
      %dma_wait3A_30 = arith.constant 0 : i32
      %dma_wait3A_31 = tpu.memref_slice %arg9[%mul3A_7, %dma_wait3A_30] : memref<10240x64xf32, #tpu.memory_space<vmem_shared>> -> memref<640x64xf32, #tpu.memory_space<vmem_shared>>
      tpu.wait_dma2 semaphore(%run_scoped3A : memref<!tpu.dma_semaphore, #tpu.memory_space<semaphore_mem>>) src(%dma_wait3A_31 : memref<640x64xf32, #tpu.memory_space<vmem_shared>>) dst(%arg8 : memref<640x64xf32, #tpu.memory_space<vmem>>)
      tpu.yield
    }) : () -> ()
    %mul3A_24 = arith.constant 10240 : i32
    %mul3A_25 = arith.muli %arg0, %mul3A_24 : i32
    %add3A = arith.addi %mul3A_25, %mul3A_7 : i32
    "tpu.region"() ({
      %run_scoped3A = tpu.sem_alloc : memref<!tpu.dma_semaphore, #tpu.memory_space<semaphore_mem>>
      %dma_start3A = arith.constant 0 : i32
      %dma_start3A_26 = tpu.memref_slice %arg5[%add3A, %dma_start3A] : memref<20480x64xf32, #tpu.memory_space<hbm>> -> memref<640x64xf32, #tpu.memory_space<hbm>>
      %dma_start3A_27 = arith.constant 0 : i32
      %dma_start3A_28 = tpu.memref_slice %arg5[%add3A, %dma_start3A_27] : memref<20480x64xf32, #tpu.memory_space<hbm>> -> memref<640x64xf32, #tpu.memory_space<hbm>>
      tpu.enqueue_dma source(%arg8 : memref<640x64xf32, #tpu.memory_space<vmem>>) target(%dma_start3A_28 : memref<640x64xf32, #tpu.memory_space<hbm>>) target_semaphore(%run_scoped3A : memref<!tpu.dma_semaphore, #tpu.memory_space<semaphore_mem>>)
      %dma_wait3A = arith.constant 0 : i32
      %dma_wait3A_29 = tpu.memref_slice %arg5[%add3A, %dma_wait3A] : memref<20480x64xf32, #tpu.memory_space<hbm>> -> memref<640x64xf32, #tpu.memory_space<hbm>>
      %dma_wait3A_30 = arith.constant 0 : i32
      %dma_wait3A_31 = tpu.memref_slice %arg5[%add3A, %dma_wait3A_30] : memref<20480x64xf32, #tpu.memory_space<hbm>> -> memref<640x64xf32, #tpu.memory_space<hbm>>
      tpu.wait_dma2 semaphore(%run_scoped3A : memref<!tpu.dma_semaphore, #tpu.memory_space<semaphore_mem>>) src(%arg8 : memref<640x64xf32, #tpu.memory_space<vmem>>) dst(%dma_wait3A_31 : memref<640x64xf32, #tpu.memory_space<hbm>>)
      tpu.yield
    }) : () -> ()
    return
  }
}

module attributes {stable_mosaic.version = 14 : i64} {
  func.func @_tc_body(%arg0: i32, %arg1: memref<2x2000x64xf32, #tpu.memory_space<vmem>>, %arg2: memref<2000x128xf32, #tpu.memory_space<vmem>>, %arg3: memref<96x128xf32, #tpu.memory_space<vmem>>, %arg4: memref<1x128xf32, #tpu.memory_space<vmem>>, %arg5: memref<128x128xf32, #tpu.memory_space<vmem>>, %arg6: memref<1x128xf32, #tpu.memory_space<vmem>>, %arg7: memref<128x128xf32, #tpu.memory_space<vmem>>, %arg8: memref<1x128xf32, #tpu.memory_space<vmem>>, %arg9: memref<2000x128xf32, #tpu.memory_space<vmem>>) attributes {dimension_semantics = [#tpu.dimension_semantics<arbitrary>], iteration_bounds = array<i64: 5>, scalar_prefetch = 0 : i64, scratch_operands = 0 : i64, tpu.core_type = #tpu.core_type<tc>, window_params = [{transform_indices = @transform_0, window_bounds = array<i64: 2, 2000, 64>}, {transform_indices = @transform_1, window_bounds = array<i64: 2000, 128>}, {pipeline_mode = #tpu.pipeline_mode<synchronous>, transform_indices = @transform_2, window_bounds = array<i64: 96, 128>}, {pipeline_mode = #tpu.pipeline_mode<synchronous>, transform_indices = @transform_3, window_bounds = array<i64: 1, 128>}, {pipeline_mode = #tpu.pipeline_mode<synchronous>, transform_indices = @transform_4, window_bounds = array<i64: 128, 128>}, {pipeline_mode = #tpu.pipeline_mode<synchronous>, transform_indices = @transform_5, window_bounds = array<i64: 1, 128>}, {pipeline_mode = #tpu.pipeline_mode<synchronous>, transform_indices = @transform_6, window_bounds = array<i64: 128, 128>}, {pipeline_mode = #tpu.pipeline_mode<synchronous>, transform_indices = @transform_7, window_bounds = array<i64: 1, 128>}, {transform_indices = @transform_8, window_bounds = array<i64: 2000, 128>}]} {
    %get3A = arith.constant 0 : index
    %get3A_0 = arith.constant 0 : index
    %get3A_1 = arith.constant 0 : index
    %get3A_2 = vector.load %arg1[%get3A, %get3A_0, %get3A_1] : memref<2x2000x64xf32, #tpu.memory_space<vmem>>, vector<1x2000x64xf32>
    %get3A_3 = vector.shape_cast %get3A_2 : vector<1x2000x64xf32> to vector<2000x64xf32>
    %get3A_4 = arith.constant 1 : index
    %get3A_5 = arith.constant 0 : index
    %get3A_6 = arith.constant 0 : index
    %get3A_7 = vector.load %arg1[%get3A_4, %get3A_5, %get3A_6] : memref<2x2000x64xf32, #tpu.memory_space<vmem>>, vector<1x2000x32xf32>
    %get3A_8 = vector.shape_cast %get3A_7 : vector<1x2000x32xf32> to vector<2000x32xf32>
    %get3A_9 = arith.constant 1 : index
    %get3A_10 = arith.constant 0 : index
    %get3A_11 = arith.constant 32 : index
    %get3A_12 = vector.load %arg1[%get3A_9, %get3A_10, %get3A_11] : memref<2x2000x64xf32, #tpu.memory_space<vmem>>, vector<1x2000x1xf32>
    %get3A_13 = vector.shape_cast %get3A_12 : vector<1x2000x1xf32> to vector<2000x1xf32>
    %get3A_14 = arith.constant 0 : index
    %get3A_15 = arith.constant 0 : index
    %get3A_16 = vector.load %arg3[%get3A_14, %get3A_15] : memref<96x128xf32, #tpu.memory_space<vmem>>, vector<64x128xf32>
    %dot_general3A = arith.constant dense<0.000000e+00> : vector<2000x128xf32>
    %dot_general3A_17 = tpu.matmul %get3A_3, %get3A_16, %dot_general3A {dimension_numbers = #tpu.dot_dimension_numbers<[1], [0], [0], [1], [0, 0, 1, 1], [], []>, precision = #tpu.contract_precision<fp32>, transpose_lhs_hint = false} : vector<2000x64xf32>, vector<64x128xf32>, vector<2000x128xf32> -> vector<2000x128xf32>
    %get3A_18 = arith.constant 64 : index
    %get3A_19 = arith.constant 0 : index
    %get3A_20 = vector.load %arg3[%get3A_18, %get3A_19] : memref<96x128xf32, #tpu.memory_space<vmem>>, vector<32x128xf32>
    %dot_general3A_21 = arith.constant dense<0.000000e+00> : vector<2000x128xf32>
    %dot_general3A_22 = tpu.matmul %get3A_8, %get3A_20, %dot_general3A_21 {dimension_numbers = #tpu.dot_dimension_numbers<[1], [0], [0], [1], [0, 0, 1, 1], [], []>, precision = #tpu.contract_precision<fp32>, transpose_lhs_hint = false} : vector<2000x32xf32>, vector<32x128xf32>, vector<2000x128xf32> -> vector<2000x128xf32>
    %add3A = arith.addf %dot_general3A_17, %dot_general3A_22 : vector<2000x128xf32>
    %get3A_23 = arith.constant 0 : index
    %get3A_24 = arith.constant 0 : index
    %get3A_25 = vector.load %arg4[%get3A_23, %get3A_24] : memref<1x128xf32, #tpu.memory_space<vmem>>, vector<1x128xf32>
    %mul3A = vector.broadcast %get3A_13 : vector<2000x1xf32> to vector<2000x128xf32>
    %mul3A_26 = vector.broadcast %get3A_25 : vector<1x128xf32> to vector<2000x128xf32>
    %mul3A_27 = arith.mulf %mul3A, %mul3A_26 : vector<2000x128xf32>
    %add3A_28 = arith.addf %add3A, %mul3A_27 : vector<2000x128xf32>
    %get3A_29 = arith.constant 0 : index
    %get3A_30 = arith.constant 0 : index
    %get3A_31 = vector.load %arg5[%get3A_29, %get3A_30] : memref<128x128xf32, #tpu.memory_space<vmem>>, vector<128x128xf32>
    %dot_general3A_32 = arith.constant dense<0.000000e+00> : vector<2000x128xf32>
    %dot_general3A_33 = tpu.matmul %add3A_28, %get3A_31, %dot_general3A_32 {dimension_numbers = #tpu.dot_dimension_numbers<[1], [0], [0], [1], [0, 0, 1, 1], [], []>, precision = #tpu.contract_precision<fp32>, transpose_lhs_hint = false} : vector<2000x128xf32>, vector<128x128xf32>, vector<2000x128xf32> -> vector<2000x128xf32>
    %get3A_34 = arith.constant 0 : index
    %get3A_35 = arith.constant 0 : index
    %get3A_36 = vector.load %arg6[%get3A_34, %get3A_35] : memref<1x128xf32, #tpu.memory_space<vmem>>, vector<1x128xf32>
    %add3A_37 = vector.broadcast %get3A_36 : vector<1x128xf32> to vector<2000x128xf32>
    %add3A_38 = arith.addf %dot_general3A_33, %add3A_37 : vector<2000x128xf32>
    %max3A = arith.constant 0.000000e+00 : f32
    %max3A_39 = vector.broadcast %max3A : f32 to vector<2000x128xf32>
    %max3A_40 = arith.maximumf %add3A_38, %max3A_39 : vector<2000x128xf32>
    %get3A_41 = arith.constant 0 : index
    %get3A_42 = arith.constant 0 : index
    %get3A_43 = vector.load %arg7[%get3A_41, %get3A_42] : memref<128x128xf32, #tpu.memory_space<vmem>>, vector<128x128xf32>
    %dot_general3A_44 = arith.constant dense<0.000000e+00> : vector<2000x128xf32>
    %dot_general3A_45 = tpu.matmul %max3A_40, %get3A_43, %dot_general3A_44 {dimension_numbers = #tpu.dot_dimension_numbers<[1], [0], [0], [1], [0, 0, 1, 1], [], []>, precision = #tpu.contract_precision<fp32>, transpose_lhs_hint = false} : vector<2000x128xf32>, vector<128x128xf32>, vector<2000x128xf32> -> vector<2000x128xf32>
    %get3A_46 = arith.constant 0 : index
    %get3A_47 = arith.constant 0 : index
    %get3A_48 = vector.load %arg8[%get3A_46, %get3A_47] : memref<1x128xf32, #tpu.memory_space<vmem>>, vector<1x128xf32>
    %add3A_49 = vector.broadcast %get3A_48 : vector<1x128xf32> to vector<2000x128xf32>
    %add3A_50 = arith.addf %dot_general3A_45, %add3A_49 : vector<2000x128xf32>
    %get3A_51 = arith.constant 0 : index
    %get3A_52 = arith.constant 0 : index
    %get3A_53 = vector.load %arg2[%get3A_51, %get3A_52] : memref<2000x128xf32, #tpu.memory_space<vmem>>, vector<2000x128xf32>
    %add3A_54 = arith.addf %get3A_53, %add3A_50 : vector<2000x128xf32>
    %swap3A = arith.constant 0 : index
    %swap3A_55 = arith.constant 0 : index
    %swap3A_56 = vector.load %arg9[%swap3A, %swap3A_55] : memref<2000x128xf32, #tpu.memory_space<vmem>>, vector<2000x128xf32>
    tpu.vector_store %arg9[%swap3A, %swap3A_55], %add3A_54 {strides = array<i32>} : memref<2000x128xf32, #tpu.memory_space<vmem>>, vector<2000x128xf32>,
    return
  }
  func.func @transform_0(%arg0: i32) -> (i32, i32, i32) {
    %c0_i32 = arith.constant 0 : i32
    %c0_i32_0 = arith.constant 0 : i32
    %c0_i32_1 = arith.constant 0 : i32
    return %c0_i32, %arg0, %c0_i32_0 : i32, i32, i32
  }
  func.func @transform_1(%arg0: i32) -> (i32, i32) {
    %c0_i32 = arith.constant 0 : i32
    %c0_i32_0 = arith.constant 0 : i32
    return %arg0, %c0_i32 : i32, i32
  }
  func.func @transform_2(%arg0: i32) -> (i32, i32) {
    %c0_i32 = arith.constant 0 : i32
    %c0_i32_0 = arith.constant 0 : i32
    %c0_i32_1 = arith.constant 0 : i32
    return %c0_i32, %c0_i32_0 : i32, i32
  }
  func.func @transform_3(%arg0: i32) -> (i32, i32) {
    %c0_i32 = arith.constant 0 : i32
    %c0_i32_0 = arith.constant 0 : i32
    %c0_i32_1 = arith.constant 0 : i32
    return %c0_i32, %c0_i32_0 : i32, i32
  }
  func.func @transform_4(%arg0: i32) -> (i32, i32) {
    %c0_i32 = arith.constant 0 : i32
    %c0_i32_0 = arith.constant 0 : i32
    %c0_i32_1 = arith.constant 0 : i32
    return %c0_i32, %c0_i32_0 : i32, i32
  }
  func.func @transform_5(%arg0: i32) -> (i32, i32) {
    %c0_i32 = arith.constant 0 : i32
    %c0_i32_0 = arith.constant 0 : i32
    %c0_i32_1 = arith.constant 0 : i32
    return %c0_i32, %c0_i32_0 : i32, i32
  }
  func.func @transform_6(%arg0: i32) -> (i32, i32) {
    %c0_i32 = arith.constant 0 : i32
    %c0_i32_0 = arith.constant 0 : i32
    %c0_i32_1 = arith.constant 0 : i32
    return %c0_i32, %c0_i32_0 : i32, i32
  }
  func.func @transform_7(%arg0: i32) -> (i32, i32) {
    %c0_i32 = arith.constant 0 : i32
    %c0_i32_0 = arith.constant 0 : i32
    %c0_i32_1 = arith.constant 0 : i32
    return %c0_i32, %c0_i32_0 : i32, i32
  }
  func.func @transform_8(%arg0: i32) -> (i32, i32) {
    %c0_i32 = arith.constant 0 : i32
    %c0_i32_0 = arith.constant 0 : i32
    return %arg0, %c0_i32 : i32, i32
  }
}

</mosaic_0001>

<sc_bundles>
// kernel: kernel.4.cloned.1.call-start
scs
__scs_entry_jumppad:
0x0: {  	(pc) =	sbr.rel $0x88, $3  }
0x1: {  	(tag) =	ssettag $0x0;
	lr =	simm.s32 $0x1  }
0x2: {  	[smem:$0x3F97] =	sst lr;
	_ =	strace $0xD0000000  }
0x3: {  	_ = 	snop  }
0x4: {  	_ = 	snop  }
0x5: {  	_ = 	snop  }
0x6: {  	_ = 	snop  }
0x7: {  	_ = 	snop  }
__scs_overlays_trampoline_lowered:
0x8: {  	[smem:$0x3FA6] =	sst s0  }
0x9: {  	[smem:$0x3FA7] =	sst s1  }
0xa: {  	[smem:$0x3FA8] =	sst s2  }
0xb: {  	[smem:$0x3FA9] =	sst s3  }
0xc: {  	[smem:$0x3FAA] =	sst s4  }
0xd: {  	[smem:$0x3FAB] =	sst s5  }
0xe: {  	[smem:$0x3FAC] =	sst s6  }
0xf: {  	[smem:$0x3FAD] =	sst s7  }
0x10: {  	[smem:$0x3FAE] =	sst s8  }
0x11: {  	[smem:$0x3FAF] =	sst s9;
	s0 =	simm.s32 @!p0 $0x0  }
0x12: {  	s1 =	sld [smem:$0x3F95];
	s0 =	simm.s32 @p0 $0x1  }
0x13: {  	[smem:$0x3FB0] =	sst s0;
	s0 =	simm.s32 @!p1 $0x0  }
0x14: {  	s2 =	sld [smem:$0x3F94];
	s0 =	simm.s32 @p1 $0x1  }
0x15: {  	[smem:$0x3FB1] =	sst s0;
	s0 =	simm.s32 @!p2 $0x0  }
0x16: {  	s3 =	sld [smem:$0x3FDB];
	s0 =	simm.s32 @p2 $0x1  }
0x17: {  	s4 =	simm.s32 $0x1BF5;
	[smem:$0x3FB3] =	sst s0  }
0x18: {  	s0 =	sld [smem:$0x3F96];
	_ =	swait.ge [sflag:s4], $0x0  }
0x19: {  	s7 =	sld [smem:$0x3F97]  }
0x1a: {  	s8 =	sadd.s32 $0xFFFFE003, lr  }
0x1b: {  	s9 =	sadd.s32 $0xFFFFFEF7, lr;
	s5 =	simm.s32 $0xFFFFFFFF;
	p2 =	slt.u32 s8, $0xFFFFF086  }
0x1c: {  	p1 =	slt.u32 s9, $0xF7A;
	s5 =	simm.s32 @!p2 $0x0  }
0x1d: {  	s5 =	simm.s32 @p1 $0x1;
	p0 =	seq.s32 s7, s2  }
0x1e: {  	s7 =	smul.u32 @!p0 $0xF7A, s2;
	p2 =	seq.s32 @!p0 s5, $0x0  }
0x1f: {  	s9 =	smul.u32 $0xF7A, s1;
	s8 =	simm.s32 @!p0 $0x1BF5;
	p2 =	por !p2, p0  }
0x20: {  	[sflag:s8] =	ssyncset.s32 @!p0 $0xFFFFF086;
	s6 =	sadd.s32 @!p0 s3, s7;
	s7 =	simm.s32 @!p0 $0x108  }
0x21: {  	s3 =	sadd.s32 s3, s9;
	s6 =	sadd.s32 @!p0 $0x88, s6;
	s7 =	simm.s32 @p2 $0x1082  }
0x22: {  	[simem:s7], [sflag:s8] =	dma.local @!p0 [hbm:s6], $0xF7A  }
0x23: {  	s9 =	sor.u32 $0xD0000000, s2;
	s6 =	simm.s32 $0x108;
	_ =	swait.ge @!p0 [sflag:s8], $0x0  }
0x24: {  	s3 =	sadd.s32 $0x88, s3;
	s6 =	simm.s32 @!p1 $0x1082;
	[sflag:s4] =	ssyncset.s32 $0xFFFFF086  }
0x25: {  	[simem:s6], [sflag:s4] =	dma.local [hbm:s3], $0xF7A  }
0x26: {  	[smem:$0x3F97] =	sst s1;
	(tag) =	ssettag s2;
	_ =	strace s9  }
0x27: {  	s1 =	sld [smem:$0x3FA7]  }
0x28: {  	s2 =	sld [smem:$0x3FA8]  }
0x29: {  	s4 =	sld [smem:$0x3FAA]  }
0x2a: {  	p0 =	seq.s32 s5, $0x0;
	s5 =	sld [smem:$0x3FAB]  }
0x2b: {  	s6 =	sld [smem:$0x3FAC]  }
0x2c: {  	s7 =	sld [smem:$0x3FAD]  }
0x2d: {  	s3 =	simm.s32 $0x108;
	s8 =	sld [smem:$0x3FAE]  }
0x2e: {  	s3 =	simm.s32 @!p0 $0x1082;
	s9 =	sld [smem:$0x3FAF]  }
0x2f: {  	lr =	sadd.s32 s0, s3;
	s0 =	sld [smem:$0x3FA6]  }
0x30: {  	s3 =	sld [smem:$0x3FA9]  }
0x31: {  	[smem:$0x3FB2] =	sst s10  }
0x32: {  	s10 =	sld [smem:$0x3FB0];
	_ =	sdelay $0x3  }
0x33: {  	p0 =	seq.s32 s10, $0x1;
	s10 =	sld [smem:$0x3FB2];
	_ =	sdelay $0x3  }
0x34: {  	[smem:$0x3FB2] =	sst s10  }
0x35: {  	s10 =	sld [smem:$0x3FB1];
	_ =	sdelay $0x3  }
0x36: {  	p1 =	seq.s32 s10, $0x1;
	s10 =	sld [smem:$0x3FB2];
	_ =	sdelay $0x3  }
0x37: {  	[smem:$0x3FB2] =	sst s10  }
0x38: {  	s10 =	sld [smem:$0x3FB3]  }
0x39: {  	_ = 	snop;
	(pc) =	sbr.ind lr, $3  }
0x3a: {  	_ = 	snop  }
0x3b: {  	_ = 	snop  }
0x3c: {  	p2 =	seq.s32 s10, $0x1;
	s10 =	sld [smem:$0x3FB2]  }
0x3d: {  	_ =	shalt  }
0x3e: {  	_ =	shalt  }
0x3f: {  	_ =	shalt  }
0x40: {  	_ =	shalt  }
0x41: {  	_ =	shalt  }
0x42: {  	_ =	shalt  }
0x43: {  	_ =	shalt  }
0x44: {  	_ =	shalt  }
0x45: {  	_ =	shalt  }
0x46: {  	_ =	shalt  }
0x47: {  	_ =	shalt  }
0x48: {  	_ =	shalt  }
0x49: {  	_ =	shalt  }
0x4a: {  	_ =	shalt  }
0x4b: {  	_ =	shalt  }
0x4c: {  	_ =	shalt  }
0x4d: {  	_ =	shalt  }
0x4e: {  	_ =	shalt  }
0x4f: {  	_ =	shalt  }
0x50: {  	_ =	shalt  }
0x51: {  	_ =	shalt  }
0x52: {  	_ =	shalt  }
0x53: {  	_ =	shalt  }
0x54: {  	_ =	shalt  }
0x55: {  	_ =	shalt  }
0x56: {  	_ =	shalt  }
0x57: {  	_ =	shalt  }
0x58: {  	_ =	shalt  }
0x59: {  	_ =	shalt  }
0x5a: {  	_ =	shalt  }
0x5b: {  	_ =	shalt  }
0x5c: {  	_ =	shalt  }
0x5d: {  	_ =	shalt  }
0x5e: {  	_ =	shalt  }
0x5f: {  	_ =	shalt  }
0x60: {  	_ =	shalt  }
0x61: {  	_ =	shalt  }
0x62: {  	_ =	shalt  }
0x63: {  	_ =	shalt  }
0x64: {  	_ =	shalt  }
0x65: {  	_ =	shalt  }
0x66: {  	_ =	shalt  }
0x67: {  	_ =	shalt  }
0x68: {  	_ =	shalt  }
0x69: {  	_ =	shalt  }
0x6a: {  	_ =	shalt  }
0x6b: {  	_ =	shalt  }
0x6c: {  	_ =	shalt  }
0x6d: {  	_ =	shalt  }
0x6e: {  	_ =	shalt  }
0x6f: {  	_ =	shalt  }
0x70: {  	_ =	shalt  }
0x71: {  	_ =	shalt  }
0x72: {  	_ =	shalt  }
0x73: {  	_ =	shalt  }
0x74: {  	_ =	shalt  }
0x75: {  	_ =	shalt  }
0x76: {  	_ =	shalt  }
0x77: {  	_ =	shalt  }
0x78: {  	_ =	shalt  }
0x79: {  	_ =	shalt  }
0x7a: {  	_ =	shalt  }
0x7b: {  	_ =	shalt  }
0x7c: {  	_ =	shalt  }
0x7d: {  	_ =	shalt  }
0x7e: {  	_ =	shalt  }
0x7f: {  	_ =	shalt  }
0x80: {  	_ =	shalt  }
0x81: {  	_ =	shalt  }
0x82: {  	_ =	shalt  }
0x83: {  	_ =	shalt  }
0x84: {  	_ =	shalt  }
0x85: {  	_ =	shalt  }
0x86: {  	_ =	shalt  }
0x87: {  	_ =	shalt  }
.Lfunc_end0:
.L_simem_size_0:
called_computation_lowered:
.L_overlay_start_0:
0x88: {  	s2 =	sld [smem:$0x3FD9]  }
0x89: {  	s3 =	sld [smem:$0x3FFE];
	_ =	sdelay $0x1  }
0x8a: {  	s1 =	srdreg.scid  }
0x8b: {  	s0 =	sand.u32 $0x1, s1  }
0x8c: {  	s17 =	sshll.u32 s0, $0xA;
	s2 =	sadd.s32 s3, s2  }
0x8d: {  	s2 =	sadd.s32 s2, s17  }
0x8e: {  	[smem:$0x3FBE] =	sst s2  }
0x8f: {  	_ = 	snop  }
0x90: {  	s2 =	sld [smem:$0x3FD0];
	(tm) =	ssettm $0x1  }
0x91: {  	s18 =	sld [smem:$0x3FFB];
	_ =	sdelay $0x3  }
0x92: {  	_ =	strace s18  }
0x93: {  	s3 =	sld [smem:$0x3FFC];
	_ =	sdelay $0x3  }
0x94: {  	_ =	strace s3  }
0x95: {  	s3 =	sld [smem:$0x3FFD];
	_ =	sdelay $0x3  }
0x96: {  	_ =	strace s3  }
0x97: {  	_ =	strace $0x8FFFFFFF  }
0x98: {  	s19 =	sld [smem:$0x3FDB];
	_ =	sdelay $0x1  }
0x99: {  	s4 =	simm.s32 $_scs_section_size  }
0x9a: {  	s5 =	simm.s32 $_size__tile_overlayer_lowered;
	s6 =	simm.s32 $_tile_overlayer_lowered  }
0x9b: {  	s22 =	simm.s32 $0x1BFF;
	s21 =	sshll.u32 s6, $0x1;
	s3 =	sadd.s32 s4, s19  }
0x9c: {  	s7 =	simm.s32 $0x0;
	s20 =	sshll.u32 s5, $0x1;
	s5 =	sadd.s32 s21, s3  }
0x9d: {  	[timem:s7], [sflag:s22] =	dma.local [hbm:s5], s20  }
0x9e: {  	_ =	swait.ge [sflag:s22], s20  }
0x9f: {  	s4 =	ssub.s32 $0x0, s20;
	[sflag:s22] =	ssyncset.done $0x0  }
0xa0: {  	[sflag:s22] =	ssyncadd.s32 s4;
	_ =	sdelay $0x1  }
0xa1: {  	s23 =	simm.s32 $0x1B8B  }
0xa2: {  	_ =	swait.ge [sflag:s23], $0x1  }
0xa3: {  	[sflag:s23] =	ssyncset.done $0x0  }
0xa4: {  	s25 =	simm.s32 $0x1B8E;
	s24 =	sld [smem:$0x3FFE];
	[sflag:s23] =	ssyncadd.s32 $0xFFFFFFFF  }
0xa5: {  	s26 =	simm.s32 $execute0_lowered;
	[smem:$0x3FD2] =	sst s25  }
0xa6: {  	s5 =	sshll.u32 s26, $0x1;
	_ =	strace $0x80000046;
	[dreg:$0x1] =	wrdreg $0xFFFFFFFF  }
0xa7: {  	s28 =	simm.s32 $_size_execute0_lowered;
	s3 =	sadd.s32 s3, s5;
	[dreg:$0x0] =	wrdreg $0x0  }
0xa8: {  	s5 =	sshll.u32 s28, $0x1;
	[dreg:$0x2] =	wrdreg s3  }
0xa9: {  	[dreg:$0x3] =	wrdreg s5  }
0xaa: {  	[dreg:$0x4] =	wrdreg $0xC0  }
0xab: {  	_ =	task [dreg:s7], $0x5FFFF  }
0xac: {  	[dreg:$0x1] =	wrdreg $0xFFFFFFFF  }
0xad: {  	[dreg:$0x0] =	wrdreg $0x60  }
0xae: {  	[dreg:$0x2] =	wrdreg s2  }
0xaf: {  	[dreg:$0x3] =	wrdreg s24  }
0xb0: {  	[dreg:$0x4] =	wrdreg $0xC0800  }
0xb1: {  	[dreg:$0x5] =	wrdreg $0x9  }
0xb2: {  	_ =	task.clear_ibuf [dreg:s7], $0x6FFFF;
	_ =	strace $0x90000046  }
0xb3: {  	s29 =	simm.s32 $0x9;
	_ =	strace $0x80000048  }
0xb4: {  	_ =	swait.ge [sflag:s29], $0x1  }
0xb5: {  	[sflag:s29] =	ssyncadd.s32 $0xFFFFFFFF  }
0xb6: {  	_ =	strace $0x90000048  }
0xb7: {  	_ =	sfence  }
0xb8: {  	s30 =	sld [smem:$0x0];
	_ =	sdelay $0x2  }
0xb9: {  	s31 =	sshll.u32 s1, $0xD;
	s1 =	sshrl.u32 s1, $0x2  }
0xba: {  	s3 =	sand.u32 $0x4000, s31;
	s1 =	sadd.s32 s1, s30  }
0xbb: {  	s0 =	sor.u32 s3, s0;
	s1 =	sshll.u32 s1, $0x11  }
0xbc: {  	s0 =	sor.u32 s1, s0  }
0xbd: {  	s0 =	sadd.s32 $0x8F2B, s0  }
0xbe: {  	[sflag:s0] =	ssyncadd.remote.s32 $0x1  }
0xbf: {  	_ =	sfence.sel $0xFFFF  }
0xc0: {  	[dreg:$0x0] =	wrdreg $0xFFFFFFFF;
	(pc) =	sbr.abs _section_cstart, $3  }
0xc1: {  	[dreg:$0x1] =	wrdreg $0xFFFFFFFF  }
0xc2: {  	_ =	task.clear_ibuf [dreg:s7], $0x2FFFF;
	_ =	strace $0x9FFFFFFF  }
0xc3: {  	(tm) =	ssettm $0x7FFFFFFF  }
tec
execute0_lowered:
.L_overlay_start_1:
0x0: {  	(tag) =	ssettag $0x1  }
0x1: {  	s1 =	rddreg [dreg:$0x0]  }
0x2: {  	s7 =	rddreg [dreg:$0x1]  }
0x3: {  	s3 =	rddreg [dreg:$0x2]  }
0x4: {  	s0 =	rddreg [dreg:$0x3]  }
0x5: {  	s5 =	srdreg.scid;
	s2 =	stileid.u32  }
0x6: {  	s4 =	simm.s32 $0x0;
	s15 =	simm.s32 $0x80;
	s16 =	simm.s32 $0x0  }
0x7: {  	s14 =	sand.u32 $0x1, s5;
	s6 =	smul.u32 $0x1400, s2;
	[smem:$0x7FF] =	sst s4  }
0x8: {  	s5 =	sadd.s32 $0x4E3000, s7;
	s11 =	smul.u32 $0x28000, s2;
	p0 =	slt.u32 s2, $0x4  }
0x9: {  	s8 =	smul.u32 $0x14000, s14;
	_ =	strace $0x80000047;
	s9 =	ssub.s32 $0x2, s14  }
0xa: {  	p1 =	sne.s32 s14, $0x0;
	s10 =	sshrl.u32 s9, $0x1;
	s31 =	sshrl.u32 s11, $0x2  }
.Ltmp0:
0xb: {  	s8 =	sadd.s32 s6, s8;
	s6 =	sadd.s32 $0x754000, s7;
	(pc) =	sbr.rel .LBB2_1-.Ltmp0, $4  }
0xc: {  	s13 =	ssub.s32 s9, s10;
	s9 =	sshll.u32 s2, $0x7;
	s12 =	sadd.s32 s8, s7  }
0xd: {  	s7 =	simm.s32 $0x9D;
	s8 =	sadd.s32 s31, s3;
	s11 =	smax.u32 s13, $0x1  }
0xe: {  	s13 =	simm.s32 $0x1;
	s7 =	simm.s32 @!p0 $0x9C;
	s10 =	sadd.s32 $0x1000, s12  }
0xf: {  	v0 =	vimm.f32 $0.0e+00;
	v1 =	vimm.f32 $1.000000000e+00;
	p0 =	seq.s32 s14, $0x0;
	s12 =	simm.s32 $0x2080;
	s14 =	simm.s32 $0x2  }
.LBB2_14:
0x10: {  	[bflag:$0x0] =	sbarrier.arrive $0xFFFF  }
0x11: {  	[tilespmem:s12], [sflag:$0x1] =	stream.linear.gather [spmem:s8], $0xA000, $0x38;
	[tilespmem:$0x16080] =	vst v63  }
0x12: {  	s16 =	sadd.s32 $0x1, s16;
	_ =	swait.ge [sflag:s13], $0xA000  }
0x13: {  	p2 =	sne.s32 s16, s11;
	[sflag:s13] =	ssyncset.done $0x0  }
.Ltmp1:
0x14: {  	[sflag:s13] =	ssyncadd.s32 $0xFFFF6000;
	(pc) =	sbr.rel @!p2 .LBB2_15-.Ltmp1, $4  }
0x15: {  	[hbm4b:s10+s4] =	stream.linear.scatter [tilespmem:s12], [sflag:$0x1], $0xA000, $0x38;
	[tilespmem:$0x16080] =	vst v63  }
0x16: {  	_ =	swait.ge [sflag:s13], $0xA000  }
0x17: {  	[sflag:s13] =	ssyncset.done $0x0  }
0x18: {  	[sflag:s13] =	ssyncadd.s32 $0xFFFF6000  }
.LBB2_1:
0x19: {  	s18 =	simm.s32 $0x100;
	s17 =	simm.s32 $0x0  }
.LBB2_2:
0x1a: {  	p2 =	sne.s32 s18, $0x27F00;
	[tilespmem:s17+$0x20B0] =	vst v0;
	s19 =	smov.u32 s18;
	s18 =	sadd.s32 $0x100, s18  }
.Ltmp2:
0x1b: {  	[tilespmem:s17+$0x20A0] =	vst v0;
	(pc) =	sbr.rel @p2 .LBB2_2-.Ltmp2, $3  }
0x1c: {  	[tilespmem:s17+$0x2080] =	vst v0  }
0x1d: {  	[tilespmem:s17+$0x2090] =	vst v0;
	_ =	sdelay $0x1  }
0x1e: {  	s17 =	sshra.s32 s19, $0x2  }
0x1f: {  	[tilespmem:s17+$0x20B0] =	vst v0  }
0x20: {  	[tilespmem:s17+$0x20A0] =	vst v0  }
0x21: {  	[tilespmem:s17+$0x2080] =	vst v0  }
.Ltmp3:
0x22: {  	[tilespmem:s17+$0x2090] =	vst v0;
	(pc) =	sbr.rel @p0 .LBB2_7-.Ltmp3, $4  }
0x23: {  	[spmem:s8] =	stream.linear.scatter [tilespmem:s12], [sflag:$0x1], $0xA000, $0x38;
	[tilespmem:$0x16080] =	vst v63  }
0x24: {  	_ =	swait.ge [sflag:s13], $0xA000  }
0x25: {  	[sflag:s13] =	ssyncset.done $0x0  }
0x26: {  	s17 =	simm.s32 $0x0;
	[sflag:s13] =	ssyncadd.s32 $0xFFFF6000  }
0x27: {  	s18 =	simm.s32 $0x100;
	s19 =	simm.s32 $0x0  }
.LBB2_5:
0x28: {  	p2 =	sne.s32 s18, $0x7F00;
	[tilespmem:s19+$0xA0] =	vst v1;
	s20 =	smov.u32 s18;
	s18 =	sadd.s32 $0x100, s18  }
.Ltmp4:
0x29: {  	[tilespmem:s19+$0xB0] =	vst v1;
	(pc) =	sbr.rel @p2 .LBB2_5-.Ltmp4, $2  }
0x2a: {  	_ =	sdelay $0x2  }
0x2b: {  	s19 =	sshra.s32 s20, $0x2  }
0x2c: {  	[tilespmem:s19+$0xA0] =	vst v1  }
0x2d: {  	[tilespmem:s19+$0xB0] =	vst v1  }
.LBB2_7:
.Ltmp5:
0x2e: {  	(pc) =	sbr.rel .LBB2_8-.Ltmp5, $2  }
0x2f: {  	_ =	sdelay $0x1  }
0x30: {  	[bflag:$0x0] =	sbarrier.arrive $0xFFFF;
	_ =	sdelay $0x1  }
.LBB2_9:
0x31: {  	s18 =	sshll.u32 s18, $0x3  }
0x32: {  	s18 =	sadd.s32 s5, s18  }
0x33: {  	[tilespmem:s15], [sflag:$0x2] =	stream.linear.gather [hbm4b:s18+s4], $0x2000, $0x38;
	[tilespmem:$0x16080] =	vst v63  }
0x34: {  	s18 =	simm.s32 $0x2  }
0x35: {  	_ =	swait.ge [sflag:s18], $0x2000  }
0x36: {  	[sflag:s18] =	ssyncset.done $0x0  }
0x37: {  	[sflag:s18] =	ssyncadd.s32 $0xFFFFE000  }
.LBB2_13:
0x38: {  	s17 =	sadd.s32 $0x1, s17  }
0x39: {  	p2 =	sne.s32 s17, s7  }
.Ltmp6:
0x3a: {  	_ = 	snop;
	(pc) =	sbr.rel @!p2 .LBB2_14-.Ltmp6, $4  }
0x3b: {  	[spmem:s3] =	stream.indirect.scatter.add.f32 [tilespmem:s15], [sflag:s18], $0x40, s4, s15, $0xb8;
	[tilespmem:$0x16080] =	vst v63  }
0x3c: {  	_ =	swait.ge [sflag:s18], $0x2000  }
0x3d: {  	[sflag:s18] =	ssyncset.done $0x0  }
0x3e: {  	[sflag:s18] =	ssyncadd.s32 $0xFFFFE000  }
.LBB2_8:
0x3f: {  	s18 =	sshll.u32 s17, $0xB  }
0x40: {  	s18 =	sor.u32 s9, s18  }
0x41: {  	s19 =	sshrl.u32 s18, $0x3  }
.Ltmp7:
0x42: {  	s19 =	sadd.s32 s1, s19;
	(pc) =	sbr.rel @!p1 .LBB2_9-.Ltmp7, $4  }
0x43: {  	[tilespmem:s4], [sflag:$0x2] =	stream.linear.gather [hbm4b:s19+s4], $0x80, $0x38;
	[tilespmem:$0x16080] =	vst v63  }
0x44: {  	_ =	swait.ge [sflag:s14], $0x80  }
0x45: {  	[sflag:s14] =	ssyncset.done $0x0  }
0x46: {  	[sflag:s14] =	ssyncadd.s32 $0xFFFFFF80  }
0x47: {  	s18 =	sshll.u32 s18, $0x2  }
0x48: {  	s19 =	simm.s32 $0x80;
	s18 =	sadd.s32 s6, s18  }
0x49: {  	s20 =	simm.s32 $0x4;
	s21 =	simm.s32 $0xC0;
	s22 =	sadd.s32 $0x0, s18  }
.LBB2_11:
0x4a: {  	[tilespmem:s19], [sflag:$0x2] =	stream.linear.gather [hbm4b:s22+s4], $0x20, $0x38;
	[tilespmem:$0x16080] =	vst v63  }
0x4b: {  	s22 =	smov.u32 s20;
	s19 =	smov.u32 s21;
	p2 =	sne.s32 s20, $0x1FC  }
.Ltmp8:
0x4c: {  	s20 =	sadd.s32 $0x4, s20;
	(pc) =	sbr.rel @p2 .LBB2_11-.Ltmp8, $2  }
0x4d: {  	_ =	sdelay $0x2  }
0x4e: {  	s21 =	sadd.s32 $0x40, s21;
	s22 =	sadd.s32 s22, s18  }
.Ltmp9:
0x4f: {  	(pc) =	sbr.rel .LBB2_13-.Ltmp9, $4  }
0x50: {  	[tilespmem:s19], [sflag:$0x2] =	stream.linear.gather [hbm4b:s22+s4], $0x20, $0x38;
	[tilespmem:$0x16080] =	vst v63  }
0x51: {  	_ =	swait.ge [sflag:s14], $0x1000  }
0x52: {  	[sflag:s14] =	ssyncset.done $0x0  }
0x53: {  	s18 =	simm.s32 $0x1;
	[sflag:s14] =	ssyncadd.s32 $0xFFFFF000  }
.LBB2_15:
0x54: {  	_ =	sfence.sel $0x180000  }
0x55: {  	[bflag:$0x0] =	sbarrier.arrive $0xFFFF  }
0x56: {  	p0 =	sne.s32 s2, $0x0;
	_ =	strace $0x90000047  }
0x57: {  	s0 =	sadd.s32 @!p0 $0x100000, s0;
	[bflag:$0x2] =	sbarrier.arrive $0xFFFF  }
0x58: {  	[sflag:s0] =	ssyncadd.tile.s32 @!p0 $0x1;
	_ =	shalt  }
.Lfunc_end2:
_tile_overlayer_lowered:
.L_overlay_start_2:
0x59: {  	(tag) =	ssettag $0x2  }
0x5a: {  	s0 =	rddreg [dreg:$0x0];
	s2 =	stileid.u32  }
0x5b: {  	s1 =	rddreg [dreg:$0x1];
	p0 =	sne.s32 s2, $0x0  }
0x5c: {  	s3 =	rddreg [dreg:$0x2];
	[bflag:$0x3] =	sbarrier.arrive $0xFFFF;
	s2 =	simm.s32 @!p0 $0x1C01  }
0x5d: {  	[timem:s3], [sflag:s2] =	dma.local @!p0 [hbm:s0], s1  }
0x5e: {  	s0 =	simm.s32 @!p0 $0x1  }
0x5f: {  	_ =	swait.ge @!p0 [sflag:s0], s1  }
0x60: {  	s1 =	ssub.s32 @!p0 $0x0, s1;
	[sflag:s0] =	ssyncset.done @!p0 $0x0  }
0x61: {  	[sflag:s0] =	ssyncadd.s32 @!p0 s1  }
0x62: {  	[bflag:$0x3] =	sbarrier.arrive $0xFFFF  }
0x63: {  	_ =	shalt  }

</sc_bundles>
